<compile_context>
chip_gen: v7x
topology: tpu7x:2x2x1
jax: 0.10.2.dev20260603
libtpu: 0.0.44.dev20260713+nightly
codegen_flags: <defaults>
</compile_context>

<pallas_src>
import functools

import jax
import jax.numpy as jnp
from jax import lax
from jax.experimental import pallas as pl
from jax.experimental.pallas import tpu as pltpu
from jax.experimental.pallas import tpu_sc as plsc

_NUM_STEPS = 1000
_TABLE_PAD = 1024


def _schedule_tables():
    betas = jnp.linspace(0.0001, 0.02, _NUM_STEPS, dtype=jnp.float32)
    alphas = 1.0 - betas
    alphas_cumprod = jnp.cumprod(alphas)
    sqrt_ac = jnp.sqrt(alphas_cumprod)
    sqrt_omac = jnp.sqrt(1.0 - alphas_cumprod)
    pad = _TABLE_PAD - _NUM_STEPS
    return jnp.pad(sqrt_ac, (0, pad)), jnp.pad(sqrt_omac, (0, pad))


def _sc_gather_coeffs(table_a, table_c, t):
    (B,) = t.shape
    info = plsc.get_sparse_core_info()
    num_cores = 1
    nw = num_cores * info.num_subcores
    bpw = B // nw
    mesh = plsc.VectorSubcoreMesh(
        core_axis_name="c", subcore_axis_name="s", num_cores=num_cores
    )

    @functools.partial(
        pl.kernel,
        out_type=jax.ShapeDtypeStruct((2, B), jnp.float32),
        mesh=mesh,
        compiler_params=pltpu.CompilerParams(needs_layout_passes=False),
        scratch_types=[
            pltpu.VMEM((_TABLE_PAD,), jnp.float32),
            pltpu.VMEM((_TABLE_PAD,), jnp.float32),
            pltpu.VMEM((bpw,), jnp.int32),
            pltpu.VMEM((bpw,), jnp.float32),
            pltpu.VMEM((bpw,), jnp.float32),
            pltpu.SemaphoreType.DMA,
        ],
    )
    def gather_k(ta_hbm, tc_hbm, t_hbm, ac_hbm, ta_v, tc_v, t_v, a_v, c_v, sem):
        wid = lax.axis_index("s") * num_cores + lax.axis_index("c")
        base = wid * bpw
        cp1 = pltpu.async_copy(ta_hbm, ta_v, sem)
        cp2 = pltpu.async_copy(tc_hbm, tc_v, sem)
        cp3 = pltpu.async_copy(t_hbm.at[pl.ds(base, bpw)], t_v, sem)
        cp1.wait()
        cp2.wait()
        cp3.wait()
        for i in range(bpw // 16):
            sl = pl.ds(i * 16, 16)
            idx = t_v[sl]
            a_v[sl] = plsc.load_gather(ta_v, [idx])
            c_v[sl] = plsc.load_gather(tc_v, [idx])
        cp4 = pltpu.async_copy(a_v, ac_hbm.at[0, pl.ds(base, bpw)], sem)
        cp5 = pltpu.async_copy(c_v, ac_hbm.at[1, pl.ds(base, bpw)], sem)
        cp4.wait()
        cp5.wait()

    return gather_k(table_a, table_c, t)


def _tc_combine(a_t, c_t, x, n):
    R, B = x.shape
    rb = 512

    def body(ac_ref, x_ref, n_ref, o_ref):
        o_ref[...] = ac_ref[0:1, :] * x_ref[...] + ac_ref[1:2, :] * n_ref[...]

    return pl.pallas_call(
        body,
        grid=(R // rb,),
        in_specs=[
            pl.BlockSpec(memory_space=pltpu.VMEM),
            pl.BlockSpec((rb, B), lambda i: (i, 0)),
            pl.BlockSpec((rb, B), lambda i: (i, 0)),
        ],
        out_specs=pl.BlockSpec((rb, B), lambda i: (i, 0)),
        out_shape=jax.ShapeDtypeStruct((R, B), jnp.float32),
        compiler_params=pltpu.CompilerParams(vmem_limit_bytes=100 * 1024 * 1024),
    )(a_t, x, n)


def kernel(x_0, t, noise):
    B, S, D = x_0.shape
    R = S * D
    table_a, table_c = _schedule_tables()
    xt = x_0.transpose(1, 2, 0).reshape(R, B)
    nt = noise.transpose(1, 2, 0).reshape(R, B)

    ac_t = _sc_gather_coeffs(table_a, table_c, t)
    out = _tc_combine(ac_t, None, xt, nt)
    return out.reshape(S, D, B).transpose(2, 0, 1)

# --- scband reference (transcript-rebuilt; emitter-appended) ---
"""Pipeline reference for scband-noise-schedule-6012954214784 (READ-ONLY COPY).

The authoritative reference and input builder live on the scoring server;
editing this copy changes nothing except your own understanding.
"""

import jax, jax.numpy as jnp
import numpy as np

NUM_STEPS = 1000


def _schedule(num_steps):
    # linear schedule, matching torch.linspace(1e-4, 0.02, num_steps)
    betas = jnp.linspace(0.0001, 0.02, num_steps, dtype=jnp.float32)
    alphas = 1.0 - betas
    alphas_cumprod = jnp.cumprod(alphas)
    sqrt_alphas_cumprod = jnp.sqrt(alphas_cumprod)
    sqrt_one_minus_alphas_cumprod = jnp.sqrt(1.0 - alphas_cumprod)
    return sqrt_alphas_cumprod, sqrt_one_minus_alphas_cumprod


def setup_inputs(seed: int = 0) -> dict:
    key = jax.random.key(seed)
    k1, k2, k3 = jax.random.split(key, 3)
    x_0 = jax.random.normal(k1, (4096, 200, 64), dtype=jnp.float32)
    t = jax.random.randint(k2, (4096,), 0, NUM_STEPS, dtype=jnp.int32)
    noise = jax.random.normal(k3, (4096, 200, 64), dtype=jnp.float32)
    return {"x_0": x_0, "t": t, "noise": noise}


def reference(x_0, t, noise):
    sqrt_alphas_cumprod, sqrt_one_minus_alphas_cumprod = _schedule(NUM_STEPS)
    # gather per-timestep coefficients (embedding-style table lookup)
    sqrt_alphas_t = jnp.take(sqrt_alphas_cumprod, t, axis=0)
    sqrt_one_minus_alphas_t = jnp.take(sqrt_one_minus_alphas_cumprod, t, axis=0)
    # broadcast [B] -> [B, 1, 1] to match x_0 rank
    while sqrt_alphas_t.ndim < x_0.ndim:
        sqrt_alphas_t = sqrt_alphas_t[..., None]
        sqrt_one_minus_alphas_t = sqrt_one_minus_alphas_t[..., None]
    return sqrt_alphas_t * x_0 + sqrt_one_minus_alphas_t * noise

if __name__ == "__main__":
    import jax
    _d = setup_inputs()
    print(jax.jit(kernel)(*tuple(_d.values())))

</pallas_src>

<mosaic_0001>
#map = affine_map<(d0, d1) -> (0)>
#map1 = affine_map<(d0, d1) -> (0, 0)>
module attributes {stable_mosaic.version = 14 : i64} {
  func.func @gather_k(%arg0: i32, %arg1: i32, %arg2: memref<1024xf32, #tpu.memory_space<hbm>>, %arg3: memref<1024xf32, #tpu.memory_space<hbm>>, %arg4: memref<4096xi32, #tpu.memory_space<hbm>>, %arg5: memref<2x4096xf32, #tpu.memory_space<hbm>>, %arg6: memref<1024xf32, #tpu.memory_space<vmem>>, %arg7: memref<1024xf32, #tpu.memory_space<vmem>>, %arg8: memref<256xi32, #tpu.memory_space<vmem>>, %arg9: memref<256xf32, #tpu.memory_space<vmem>>, %arg10: memref<256xf32, #tpu.memory_space<vmem>>, %arg11: memref<!tpu.dma_semaphore, #tpu.memory_space<semaphore_mem>>) attributes {dimension_semantics = [#tpu.dimension_semantics<core_parallel>, #tpu.dimension_semantics<subcore_parallel>], iteration_bounds = array<i64: 1, 16>, scalar_prefetch = 0 : i64, scratch_operands = 6 : i64, tpu.core_type = #tpu.core_type<sc_vector_subcore>, window_params = [{transform_indices = #map}, {transform_indices = #map}, {transform_indices = #map}, {transform_indices = #map1}]} {
    %mul3A = arith.constant 1 : i32
    %mul3A_0 = arith.muli %arg1, %mul3A : i32
    %add3A = arith.addi %mul3A_0, %arg0 : i32
    %mul3A_1 = arith.constant 256 : i32
    %mul3A_2 = arith.muli %add3A, %mul3A_1 : i32
    tpu.enqueue_dma source(%arg2 : memref<1024xf32, #tpu.memory_space<hbm>>) target(%arg6 : memref<1024xf32, #tpu.memory_space<vmem>>) target_semaphore(%arg11 : memref<!tpu.dma_semaphore, #tpu.memory_space<semaphore_mem>>)
    tpu.enqueue_dma source(%arg3 : memref<1024xf32, #tpu.memory_space<hbm>>) target(%arg7 : memref<1024xf32, #tpu.memory_space<vmem>>) target_semaphore(%arg11 : memref<!tpu.dma_semaphore, #tpu.memory_space<semaphore_mem>>)
    %dma_start3A = tpu.memref_slice %arg4[%mul3A_2] : memref<4096xi32, #tpu.memory_space<hbm>> -> memref<256xi32, #tpu.memory_space<hbm>>
    %dma_start3A_3 = tpu.memref_slice %arg4[%mul3A_2] : memref<4096xi32, #tpu.memory_space<hbm>> -> memref<256xi32, #tpu.memory_space<hbm>>
    tpu.enqueue_dma source(%dma_start3A_3 : memref<256xi32, #tpu.memory_space<hbm>>) target(%arg8 : memref<256xi32, #tpu.memory_space<vmem>>) target_semaphore(%arg11 : memref<!tpu.dma_semaphore, #tpu.memory_space<semaphore_mem>>)
    tpu.wait_dma2 semaphore(%arg11 : memref<!tpu.dma_semaphore, #tpu.memory_space<semaphore_mem>>) src(%arg2 : memref<1024xf32, #tpu.memory_space<hbm>>) dst(%arg6 : memref<1024xf32, #tpu.memory_space<vmem>>)
    tpu.wait_dma2 semaphore(%arg11 : memref<!tpu.dma_semaphore, #tpu.memory_space<semaphore_mem>>) src(%arg3 : memref<1024xf32, #tpu.memory_space<hbm>>) dst(%arg7 : memref<1024xf32, #tpu.memory_space<vmem>>)
    %dma_wait3A = tpu.memref_slice %arg4[%mul3A_2] : memref<4096xi32, #tpu.memory_space<hbm>> -> memref<256xi32, #tpu.memory_space<hbm>>
    %dma_wait3A_4 = tpu.memref_slice %arg4[%mul3A_2] : memref<4096xi32, #tpu.memory_space<hbm>> -> memref<256xi32, #tpu.memory_space<hbm>>
    tpu.wait_dma2 semaphore(%arg11 : memref<!tpu.dma_semaphore, #tpu.memory_space<semaphore_mem>>) src(%dma_wait3A_4 : memref<256xi32, #tpu.memory_space<hbm>>) dst(%arg8 : memref<256xi32, #tpu.memory_space<vmem>>)
    %get3A = arith.constant 0 : index
    %get3A_5 = tpu.vector_load %arg8[%get3A] {strides = array<i32>} : memref<256xi32, #tpu.memory_space<vmem>>, vector<16xi32>,
    %gather3A = tpu.vector_load_idx %arg6[%get3A_5] : memref<1024xf32, #tpu.memory_space<vmem>>[vector<16xi32>], vector<16xf32>,
    %swap3A = arith.constant 0 : index
    %swap3A_6 = tpu.vector_load %arg9[%swap3A] {strides = array<i32>} : memref<256xf32, #tpu.memory_space<vmem>>, vector<16xf32>,
    tpu.vector_store %arg9[%swap3A], %gather3A {strides = array<i32>} : memref<256xf32, #tpu.memory_space<vmem>>, vector<16xf32>,
    %gather3A_7 = tpu.vector_load_idx %arg7[%get3A_5] : memref<1024xf32, #tpu.memory_space<vmem>>[vector<16xi32>], vector<16xf32>,
    %swap3A_8 = arith.constant 0 : index
    %swap3A_9 = tpu.vector_load %arg10[%swap3A_8] {strides = array<i32>} : memref<256xf32, #tpu.memory_space<vmem>>, vector<16xf32>,
    tpu.vector_store %arg10[%swap3A_8], %gather3A_7 {strides = array<i32>} : memref<256xf32, #tpu.memory_space<vmem>>, vector<16xf32>,
    %get3A_10 = arith.constant 16 : index
    %get3A_11 = tpu.vector_load %arg8[%get3A_10] {strides = array<i32>} : memref<256xi32, #tpu.memory_space<vmem>>, vector<16xi32>,
    %gather3A_12 = tpu.vector_load_idx %arg6[%get3A_11] : memref<1024xf32, #tpu.memory_space<vmem>>[vector<16xi32>], vector<16xf32>,
    %swap3A_13 = arith.constant 16 : index
    %swap3A_14 = tpu.vector_load %arg9[%swap3A_13] {strides = array<i32>} : memref<256xf32, #tpu.memory_space<vmem>>, vector<16xf32>,
    tpu.vector_store %arg9[%swap3A_13], %gather3A_12 {strides = array<i32>} : memref<256xf32, #tpu.memory_space<vmem>>, vector<16xf32>,
    %gather3A_15 = tpu.vector_load_idx %arg7[%get3A_11] : memref<1024xf32, #tpu.memory_space<vmem>>[vector<16xi32>], vector<16xf32>,
    %swap3A_16 = arith.constant 16 : index
    %swap3A_17 = tpu.vector_load %arg10[%swap3A_16] {strides = array<i32>} : memref<256xf32, #tpu.memory_space<vmem>>, vector<16xf32>,
    tpu.vector_store %arg10[%swap3A_16], %gather3A_15 {strides = array<i32>} : memref<256xf32, #tpu.memory_space<vmem>>, vector<16xf32>,
    %get3A_18 = arith.constant 32 : index
    %get3A_19 = tpu.vector_load %arg8[%get3A_18] {strides = array<i32>} : memref<256xi32, #tpu.memory_space<vmem>>, vector<16xi32>,
    %gather3A_20 = tpu.vector_load_idx %arg6[%get3A_19] : memref<1024xf32, #tpu.memory_space<vmem>>[vector<16xi32>], vector<16xf32>,
    %swap3A_21 = arith.constant 32 : index
    %swap3A_22 = tpu.vector_load %arg9[%swap3A_21] {strides = array<i32>} : memref<256xf32, #tpu.memory_space<vmem>>, vector<16xf32>,
    tpu.vector_store %arg9[%swap3A_21], %gather3A_20 {strides = array<i32>} : memref<256xf32, #tpu.memory_space<vmem>>, vector<16xf32>,
    %gather3A_23 = tpu.vector_load_idx %arg7[%get3A_19] : memref<1024xf32, #tpu.memory_space<vmem>>[vector<16xi32>], vector<16xf32>,
    %swap3A_24 = arith.constant 32 : index
    %swap3A_25 = tpu.vector_load %arg10[%swap3A_24] {strides = array<i32>} : memref<256xf32, #tpu.memory_space<vmem>>, vector<16xf32>,
    tpu.vector_store %arg10[%swap3A_24], %gather3A_23 {strides = array<i32>} : memref<256xf32, #tpu.memory_space<vmem>>, vector<16xf32>,
    %get3A_26 = arith.constant 48 : index
    %get3A_27 = tpu.vector_load %arg8[%get3A_26] {strides = array<i32>} : memref<256xi32, #tpu.memory_space<vmem>>, vector<16xi32>,
    %gather3A_28 = tpu.vector_load_idx %arg6[%get3A_27] : memref<1024xf32, #tpu.memory_space<vmem>>[vector<16xi32>], vector<16xf32>,
    %swap3A_29 = arith.constant 48 : index
    %swap3A_30 = tpu.vector_load %arg9[%swap3A_29] {strides = array<i32>} : memref<256xf32, #tpu.memory_space<vmem>>, vector<16xf32>,
    tpu.vector_store %arg9[%swap3A_29], %gather3A_28 {strides = array<i32>} : memref<256xf32, #tpu.memory_space<vmem>>, vector<16xf32>,
    %gather3A_31 = tpu.vector_load_idx %arg7[%get3A_27] : memref<1024xf32, #tpu.memory_space<vmem>>[vector<16xi32>], vector<16xf32>,
    %swap3A_32 = arith.constant 48 : index
    %swap3A_33 = tpu.vector_load %arg10[%swap3A_32] {strides = array<i32>} : memref<256xf32, #tpu.memory_space<vmem>>, vector<16xf32>,
    tpu.vector_store %arg10[%swap3A_32], %gather3A_31 {strides = array<i32>} : memref<256xf32, #tpu.memory_space<vmem>>, vector<16xf32>,
    %get3A_34 = arith.constant 64 : index
    %get3A_35 = tpu.vector_load %arg8[%get3A_34] {strides = array<i32>} : memref<256xi32, #tpu.memory_space<vmem>>, vector<16xi32>,
    %gather3A_36 = tpu.vector_load_idx %arg6[%get3A_35] : memref<1024xf32, #tpu.memory_space<vmem>>[vector<16xi32>], vector<16xf32>,
    %swap3A_37 = arith.constant 64 : index
    %swap3A_38 = tpu.vector_load %arg9[%swap3A_37] {strides = array<i32>} : memref<256xf32, #tpu.memory_space<vmem>>, vector<16xf32>,
    tpu.vector_store %arg9[%swap3A_37], %gather3A_36 {strides = array<i32>} : memref<256xf32, #tpu.memory_space<vmem>>, vector<16xf32>,
    %gather3A_39 = tpu.vector_load_idx %arg7[%get3A_35] : memref<1024xf32, #tpu.memory_space<vmem>>[vector<16xi32>], vector<16xf32>,
    %swap3A_40 = arith.constant 64 : index
    %swap3A_41 = tpu.vector_load %arg10[%swap3A_40] {strides = array<i32>} : memref<256xf32, #tpu.memory_space<vmem>>, vector<16xf32>,
    tpu.vector_store %arg10[%swap3A_40], %gather3A_39 {strides = array<i32>} : memref<256xf32, #tpu.memory_space<vmem>>, vector<16xf32>,
    %get3A_42 = arith.constant 80 : index
    %get3A_43 = tpu.vector_load %arg8[%get3A_42] {strides = array<i32>} : memref<256xi32, #tpu.memory_space<vmem>>, vector<16xi32>,
    %gather3A_44 = tpu.vector_load_idx %arg6[%get3A_43] : memref<1024xf32, #tpu.memory_space<vmem>>[vector<16xi32>], vector<16xf32>,
    %swap3A_45 = arith.constant 80 : index
    %swap3A_46 = tpu.vector_load %arg9[%swap3A_45] {strides = array<i32>} : memref<256xf32, #tpu.memory_space<vmem>>, vector<16xf32>,
    tpu.vector_store %arg9[%swap3A_45], %gather3A_44 {strides = array<i32>} : memref<256xf32, #tpu.memory_space<vmem>>, vector<16xf32>,
    %gather3A_47 = tpu.vector_load_idx %arg7[%get3A_43] : memref<1024xf32, #tpu.memory_space<vmem>>[vector<16xi32>], vector<16xf32>,
    %swap3A_48 = arith.constant 80 : index
    %swap3A_49 = tpu.vector_load %arg10[%swap3A_48] {strides = array<i32>} : memref<256xf32, #tpu.memory_space<vmem>>, vector<16xf32>,
    tpu.vector_store %arg10[%swap3A_48], %gather3A_47 {strides = array<i32>} : memref<256xf32, #tpu.memory_space<vmem>>, vector<16xf32>,
    %get3A_50 = arith.constant 96 : index
    %get3A_51 = tpu.vector_load %arg8[%get3A_50] {strides = array<i32>} : memref<256xi32, #tpu.memory_space<vmem>>, vector<16xi32>,
    %gather3A_52 = tpu.vector_load_idx %arg6[%get3A_51] : memref<1024xf32, #tpu.memory_space<vmem>>[vector<16xi32>], vector<16xf32>,
    %swap3A_53 = arith.constant 96 : index
    %swap3A_54 = tpu.vector_load %arg9[%swap3A_53] {strides = array<i32>} : memref<256xf32, #tpu.memory_space<vmem>>, vector<16xf32>,
    tpu.vector_store %arg9[%swap3A_53], %gather3A_52 {strides = array<i32>} : memref<256xf32, #tpu.memory_space<vmem>>, vector<16xf32>,
    %gather3A_55 = tpu.vector_load_idx %arg7[%get3A_51] : memref<1024xf32, #tpu.memory_space<vmem>>[vector<16xi32>], vector<16xf32>,
    %swap3A_56 = arith.constant 96 : index
    %swap3A_57 = tpu.vector_load %arg10[%swap3A_56] {strides = array<i32>} : memref<256xf32, #tpu.memory_space<vmem>>, vector<16xf32>,
    tpu.vector_store %arg10[%swap3A_56], %gather3A_55 {strides = array<i32>} : memref<256xf32, #tpu.memory_space<vmem>>, vector<16xf32>,
    %get3A_58 = arith.constant 112 : index
    %get3A_59 = tpu.vector_load %arg8[%get3A_58] {strides = array<i32>} : memref<256xi32, #tpu.memory_space<vmem>>, vector<16xi32>,
    %gather3A_60 = tpu.vector_load_idx %arg6[%get3A_59] : memref<1024xf32, #tpu.memory_space<vmem>>[vector<16xi32>], vector<16xf32>,
    %swap3A_61 = arith.constant 112 : index
    %swap3A_62 = tpu.vector_load %arg9[%swap3A_61] {strides = array<i32>} : memref<256xf32, #tpu.memory_space<vmem>>, vector<16xf32>,
    tpu.vector_store %arg9[%swap3A_61], %gather3A_60 {strides = array<i32>} : memref<256xf32, #tpu.memory_space<vmem>>, vector<16xf32>,
    %gather3A_63 = tpu.vector_load_idx %arg7[%get3A_59] : memref<1024xf32, #tpu.memory_space<vmem>>[vector<16xi32>], vector<16xf32>,
    %swap3A_64 = arith.constant 112 : index
    %swap3A_65 = tpu.vector_load %arg10[%swap3A_64] {strides = array<i32>} : memref<256xf32, #tpu.memory_space<vmem>>, vector<16xf32>,
    tpu.vector_store %arg10[%swap3A_64], %gather3A_63 {strides = array<i32>} : memref<256xf32, #tpu.memory_space<vmem>>, vector<16xf32>,
    %get3A_66 = arith.constant 128 : index
    %get3A_67 = tpu.vector_load %arg8[%get3A_66] {strides = array<i32>} : memref<256xi32, #tpu.memory_space<vmem>>, vector<16xi32>,
    %gather3A_68 = tpu.vector_load_idx %arg6[%get3A_67] : memref<1024xf32, #tpu.memory_space<vmem>>[vector<16xi32>], vector<16xf32>,
    %swap3A_69 = arith.constant 128 : index
    %swap3A_70 = tpu.vector_load %arg9[%swap3A_69] {strides = array<i32>} : memref<256xf32, #tpu.memory_space<vmem>>, vector<16xf32>,
    tpu.vector_store %arg9[%swap3A_69], %gather3A_68 {strides = array<i32>} : memref<256xf32, #tpu.memory_space<vmem>>, vector<16xf32>,
    %gather3A_71 = tpu.vector_load_idx %arg7[%get3A_67] : memref<1024xf32, #tpu.memory_space<vmem>>[vector<16xi32>], vector<16xf32>,
    %swap3A_72 = arith.constant 128 : index
    %swap3A_73 = tpu.vector_load %arg10[%swap3A_72] {strides = array<i32>} : memref<256xf32, #tpu.memory_space<vmem>>, vector<16xf32>,
    tpu.vector_store %arg10[%swap3A_72], %gather3A_71 {strides = array<i32>} : memref<256xf32, #tpu.memory_space<vmem>>, vector<16xf32>,
    %get3A_74 = arith.constant 144 : index
    %get3A_75 = tpu.vector_load %arg8[%get3A_74] {strides = array<i32>} : memref<256xi32, #tpu.memory_space<vmem>>, vector<16xi32>,
    %gather3A_76 = tpu.vector_load_idx %arg6[%get3A_75] : memref<1024xf32, #tpu.memory_space<vmem>>[vector<16xi32>], vector<16xf32>,
    %swap3A_77 = arith.constant 144 : index
    %swap3A_78 = tpu.vector_load %arg9[%swap3A_77] {strides = array<i32>} : memref<256xf32, #tpu.memory_space<vmem>>, vector<16xf32>,
    tpu.vector_store %arg9[%swap3A_77], %gather3A_76 {strides = array<i32>} : memref<256xf32, #tpu.memory_space<vmem>>, vector<16xf32>,
    %gather3A_79 = tpu.vector_load_idx %arg7[%get3A_75] : memref<1024xf32, #tpu.memory_space<vmem>>[vector<16xi32>], vector<16xf32>,
    %swap3A_80 = arith.constant 144 : index
    %swap3A_81 = tpu.vector_load %arg10[%swap3A_80] {strides = array<i32>} : memref<256xf32, #tpu.memory_space<vmem>>, vector<16xf32>,
    tpu.vector_store %arg10[%swap3A_80], %gather3A_79 {strides = array<i32>} : memref<256xf32, #tpu.memory_space<vmem>>, vector<16xf32>,
    %get3A_82 = arith.constant 160 : index
    %get3A_83 = tpu.vector_load %arg8[%get3A_82] {strides = array<i32>} : memref<256xi32, #tpu.memory_space<vmem>>, vector<16xi32>,
    %gather3A_84 = tpu.vector_load_idx %arg6[%get3A_83] : memref<1024xf32, #tpu.memory_space<vmem>>[vector<16xi32>], vector<16xf32>,
    %swap3A_85 = arith.constant 160 : index
    %swap3A_86 = tpu.vector_load %arg9[%swap3A_85] {strides = array<i32>} : memref<256xf32, #tpu.memory_space<vmem>>, vector<16xf32>,
    tpu.vector_store %arg9[%swap3A_85], %gather3A_84 {strides = array<i32>} : memref<256xf32, #tpu.memory_space<vmem>>, vector<16xf32>,
    %gather3A_87 = tpu.vector_load_idx %arg7[%get3A_83] : memref<1024xf32, #tpu.memory_space<vmem>>[vector<16xi32>], vector<16xf32>,
    %swap3A_88 = arith.constant 160 : index
    %swap3A_89 = tpu.vector_load %arg10[%swap3A_88] {strides = array<i32>} : memref<256xf32, #tpu.memory_space<vmem>>, vector<16xf32>,
    tpu.vector_store %arg10[%swap3A_88], %gather3A_87 {strides = array<i32>} : memref<256xf32, #tpu.memory_space<vmem>>, vector<16xf32>,
    %get3A_90 = arith.constant 176 : index
    %get3A_91 = tpu.vector_load %arg8[%get3A_90] {strides = array<i32>} : memref<256xi32, #tpu.memory_space<vmem>>, vector<16xi32>,
    %gather3A_92 = tpu.vector_load_idx %arg6[%get3A_91] : memref<1024xf32, #tpu.memory_space<vmem>>[vector<16xi32>], vector<16xf32>,
    %swap3A_93 = arith.constant 176 : index
    %swap3A_94 = tpu.vector_load %arg9[%swap3A_93] {strides = array<i32>} : memref<256xf32, #tpu.memory_space<vmem>>, vector<16xf32>,
    tpu.vector_store %arg9[%swap3A_93], %gather3A_92 {strides = array<i32>} : memref<256xf32, #tpu.memory_space<vmem>>, vector<16xf32>,
    %gather3A_95 = tpu.vector_load_idx %arg7[%get3A_91] : memref<1024xf32, #tpu.memory_space<vmem>>[vector<16xi32>], vector<16xf32>,
    %swap3A_96 = arith.constant 176 : index
    %swap3A_97 = tpu.vector_load %arg10[%swap3A_96] {strides = array<i32>} : memref<256xf32, #tpu.memory_space<vmem>>, vector<16xf32>,
    tpu.vector_store %arg10[%swap3A_96], %gather3A_95 {strides = array<i32>} : memref<256xf32, #tpu.memory_space<vmem>>, vector<16xf32>,
    %get3A_98 = arith.constant 192 : index
    %get3A_99 = tpu.vector_load %arg8[%get3A_98] {strides = array<i32>} : memref<256xi32, #tpu.memory_space<vmem>>, vector<16xi32>,
    %gather3A_100 = tpu.vector_load_idx %arg6[%get3A_99] : memref<1024xf32, #tpu.memory_space<vmem>>[vector<16xi32>], vector<16xf32>,
    %swap3A_101 = arith.constant 192 : index
    %swap3A_102 = tpu.vector_load %arg9[%swap3A_101] {strides = array<i32>} : memref<256xf32, #tpu.memory_space<vmem>>, vector<16xf32>,
    tpu.vector_store %arg9[%swap3A_101], %gather3A_100 {strides = array<i32>} : memref<256xf32, #tpu.memory_space<vmem>>, vector<16xf32>,
    %gather3A_103 = tpu.vector_load_idx %arg7[%get3A_99] : memref<1024xf32, #tpu.memory_space<vmem>>[vector<16xi32>], vector<16xf32>,
    %swap3A_104 = arith.constant 192 : index
    %swap3A_105 = tpu.vector_load %arg10[%swap3A_104] {strides = array<i32>} : memref<256xf32, #tpu.memory_space<vmem>>, vector<16xf32>,
    tpu.vector_store %arg10[%swap3A_104], %gather3A_103 {strides = array<i32>} : memref<256xf32, #tpu.memory_space<vmem>>, vector<16xf32>,
    %get3A_106 = arith.constant 208 : index
    %get3A_107 = tpu.vector_load %arg8[%get3A_106] {strides = array<i32>} : memref<256xi32, #tpu.memory_space<vmem>>, vector<16xi32>,
    %gather3A_108 = tpu.vector_load_idx %arg6[%get3A_107] : memref<1024xf32, #tpu.memory_space<vmem>>[vector<16xi32>], vector<16xf32>,
    %swap3A_109 = arith.constant 208 : index
    %swap3A_110 = tpu.vector_load %arg9[%swap3A_109] {strides = array<i32>} : memref<256xf32, #tpu.memory_space<vmem>>, vector<16xf32>,
    tpu.vector_store %arg9[%swap3A_109], %gather3A_108 {strides = array<i32>} : memref<256xf32, #tpu.memory_space<vmem>>, vector<16xf32>,
    %gather3A_111 = tpu.vector_load_idx %arg7[%get3A_107] : memref<1024xf32, #tpu.memory_space<vmem>>[vector<16xi32>], vector<16xf32>,
    %swap3A_112 = arith.constant 208 : index
    %swap3A_113 = tpu.vector_load %arg10[%swap3A_112] {strides = array<i32>} : memref<256xf32, #tpu.memory_space<vmem>>, vector<16xf32>,
    tpu.vector_store %arg10[%swap3A_112], %gather3A_111 {strides = array<i32>} : memref<256xf32, #tpu.memory_space<vmem>>, vector<16xf32>,
    %get3A_114 = arith.constant 224 : index
    %get3A_115 = tpu.vector_load %arg8[%get3A_114] {strides = array<i32>} : memref<256xi32, #tpu.memory_space<vmem>>, vector<16xi32>,
    %gather3A_116 = tpu.vector_load_idx %arg6[%get3A_115] : memref<1024xf32, #tpu.memory_space<vmem>>[vector<16xi32>], vector<16xf32>,
    %swap3A_117 = arith.constant 224 : index
    %swap3A_118 = tpu.vector_load %arg9[%swap3A_117] {strides = array<i32>} : memref<256xf32, #tpu.memory_space<vmem>>, vector<16xf32>,
    tpu.vector_store %arg9[%swap3A_117], %gather3A_116 {strides = array<i32>} : memref<256xf32, #tpu.memory_space<vmem>>, vector<16xf32>,
    %gather3A_119 = tpu.vector_load_idx %arg7[%get3A_115] : memref<1024xf32, #tpu.memory_space<vmem>>[vector<16xi32>], vector<16xf32>,
    %swap3A_120 = arith.constant 224 : index
    %swap3A_121 = tpu.vector_load %arg10[%swap3A_120] {strides = array<i32>} : memref<256xf32, #tpu.memory_space<vmem>>, vector<16xf32>,
    tpu.vector_store %arg10[%swap3A_120], %gather3A_119 {strides = array<i32>} : memref<256xf32, #tpu.memory_space<vmem>>, vector<16xf32>,
    %get3A_122 = arith.constant 240 : index
    %get3A_123 = tpu.vector_load %arg8[%get3A_122] {strides = array<i32>} : memref<256xi32, #tpu.memory_space<vmem>>, vector<16xi32>,
    %gather3A_124 = tpu.vector_load_idx %arg6[%get3A_123] : memref<1024xf32, #tpu.memory_space<vmem>>[vector<16xi32>], vector<16xf32>,
    %swap3A_125 = arith.constant 240 : index
    %swap3A_126 = tpu.vector_load %arg9[%swap3A_125] {strides = array<i32>} : memref<256xf32, #tpu.memory_space<vmem>>, vector<16xf32>,
    tpu.vector_store %arg9[%swap3A_125], %gather3A_124 {strides = array<i32>} : memref<256xf32, #tpu.memory_space<vmem>>, vector<16xf32>,
    %gather3A_127 = tpu.vector_load_idx %arg7[%get3A_123] : memref<1024xf32, #tpu.memory_space<vmem>>[vector<16xi32>], vector<16xf32>,
    %swap3A_128 = arith.constant 240 : index
    %swap3A_129 = tpu.vector_load %arg10[%swap3A_128] {strides = array<i32>} : memref<256xf32, #tpu.memory_space<vmem>>, vector<16xf32>,
    tpu.vector_store %arg10[%swap3A_128], %gather3A_127 {strides = array<i32>} : memref<256xf32, #tpu.memory_space<vmem>>, vector<16xf32>,
    %dma_start3A_130 = arith.constant 0 : i32
    %dma_start3A_131 = tpu.memref_slice %arg5[%dma_start3A_130, %mul3A_2] : memref<2x4096xf32, #tpu.memory_space<hbm>> -> memref<1x256xf32, #tpu.memory_space<hbm>>
    %dma_start3A_132 = tpu.memref_squeeze %dma_start3A_131 : memref<1x256xf32, #tpu.memory_space<hbm>> -> memref<256xf32, #tpu.memory_space<hbm>>
    %dma_start3A_133 = tpu.memref_slice %arg5[%dma_start3A_130, %mul3A_2] : memref<2x4096xf32, #tpu.memory_space<hbm>> -> memref<1x256xf32, #tpu.memory_space<hbm>>
    %dma_start3A_134 = tpu.memref_squeeze %dma_start3A_133 : memref<1x256xf32, #tpu.memory_space<hbm>> -> memref<256xf32, #tpu.memory_space<hbm>>
    tpu.enqueue_dma source(%arg9 : memref<256xf32, #tpu.memory_space<vmem>>) target(%dma_start3A_134 : memref<256xf32, #tpu.memory_space<hbm>>) target_semaphore(%arg11 : memref<!tpu.dma_semaphore, #tpu.memory_space<semaphore_mem>>)
    %dma_start3A_135 = arith.constant 1 : i32
    %dma_start3A_136 = tpu.memref_slice %arg5[%dma_start3A_135, %mul3A_2] : memref<2x4096xf32, #tpu.memory_space<hbm>> -> memref<1x256xf32, #tpu.memory_space<hbm>>
    %dma_start3A_137 = tpu.memref_squeeze %dma_start3A_136 : memref<1x256xf32, #tpu.memory_space<hbm>> -> memref<256xf32, #tpu.memory_space<hbm>>
    %dma_start3A_138 = tpu.memref_slice %arg5[%dma_start3A_135, %mul3A_2] : memref<2x4096xf32, #tpu.memory_space<hbm>> -> memref<1x256xf32, #tpu.memory_space<hbm>>
    %dma_start3A_139 = tpu.memref_squeeze %dma_start3A_138 : memref<1x256xf32, #tpu.memory_space<hbm>> -> memref<256xf32, #tpu.memory_space<hbm>>
    tpu.enqueue_dma source(%arg10 : memref<256xf32, #tpu.memory_space<vmem>>) target(%dma_start3A_139 : memref<256xf32, #tpu.memory_space<hbm>>) target_semaphore(%arg11 : memref<!tpu.dma_semaphore, #tpu.memory_space<semaphore_mem>>)
    %dma_wait3A_140 = arith.constant 0 : i32
    %dma_wait3A_141 = tpu.memref_slice %arg5[%dma_wait3A_140, %mul3A_2] : memref<2x4096xf32, #tpu.memory_space<hbm>> -> memref<1x256xf32, #tpu.memory_space<hbm>>
    %dma_wait3A_142 = tpu.memref_squeeze %dma_wait3A_141 : memref<1x256xf32, #tpu.memory_space<hbm>> -> memref<256xf32, #tpu.memory_space<hbm>>
    %dma_wait3A_143 = tpu.memref_slice %arg5[%dma_wait3A_140, %mul3A_2] : memref<2x4096xf32, #tpu.memory_space<hbm>> -> memref<1x256xf32, #tpu.memory_space<hbm>>
    %dma_wait3A_144 = tpu.memref_squeeze %dma_wait3A_143 : memref<1x256xf32, #tpu.memory_space<hbm>> -> memref<256xf32, #tpu.memory_space<hbm>>
    tpu.wait_dma2 semaphore(%arg11 : memref<!tpu.dma_semaphore, #tpu.memory_space<semaphore_mem>>) src(%arg9 : memref<256xf32, #tpu.memory_space<vmem>>) dst(%dma_wait3A_144 : memref<256xf32, #tpu.memory_space<hbm>>)
    %dma_wait3A_145 = arith.constant 1 : i32
    %dma_wait3A_146 = tpu.memref_slice %arg5[%dma_wait3A_145, %mul3A_2] : memref<2x4096xf32, #tpu.memory_space<hbm>> -> memref<1x256xf32, #tpu.memory_space<hbm>>
    %dma_wait3A_147 = tpu.memref_squeeze %dma_wait3A_146 : memref<1x256xf32, #tpu.memory_space<hbm>> -> memref<256xf32, #tpu.memory_space<hbm>>
    %dma_wait3A_148 = tpu.memref_slice %arg5[%dma_wait3A_145, %mul3A_2] : memref<2x4096xf32, #tpu.memory_space<hbm>> -> memref<1x256xf32, #tpu.memory_space<hbm>>
    %dma_wait3A_149 = tpu.memref_squeeze %dma_wait3A_148 : memref<1x256xf32, #tpu.memory_space<hbm>> -> memref<256xf32, #tpu.memory_space<hbm>>
    tpu.wait_dma2 semaphore(%arg11 : memref<!tpu.dma_semaphore, #tpu.memory_space<semaphore_mem>>) src(%arg10 : memref<256xf32, #tpu.memory_space<vmem>>) dst(%dma_wait3A_149 : memref<256xf32, #tpu.memory_space<hbm>>)
    return
  }
}

module attributes {stable_mosaic.version = 14 : i64} {
  func.func @body(%arg0: i32, %arg1: memref<2x4096xf32, #tpu.memory_space<vmem>>, %arg2: memref<512x4096xf32, #tpu.memory_space<vmem>>, %arg3: memref<512x4096xf32, #tpu.memory_space<vmem>>, %arg4: memref<512x4096xf32, #tpu.memory_space<vmem>>) attributes {dimension_semantics = [#tpu.dimension_semantics<arbitrary>], iteration_bounds = array<i64: 25>, scalar_prefetch = 0 : i64, scratch_operands = 0 : i64, tpu.core_type = #tpu.core_type<tc>, window_params = [{pipeline_mode = #tpu.pipeline_mode<synchronous>, transform_indices = @transform_0, window_bounds = array<i64: 2, 4096>}, {transform_indices = @transform_1, window_bounds = array<i64: 512, 4096>}, {transform_indices = @transform_2, window_bounds = array<i64: 512, 4096>}, {transform_indices = @transform_3, window_bounds = array<i64: 512, 4096>}]} {
    %get3A = arith.constant 0 : index
    %get3A_0 = arith.constant 0 : index
    %get3A_1 = vector.load %arg1[%get3A, %get3A_0] : memref<2x4096xf32, #tpu.memory_space<vmem>>, vector<1x4096xf32>
    %get3A_2 = arith.constant 0 : index
    %get3A_3 = arith.constant 0 : index
    %get3A_4 = vector.load %arg2[%get3A_2, %get3A_3] : memref<512x4096xf32, #tpu.memory_space<vmem>>, vector<512x4096xf32>
    %mul3A = vector.broadcast %get3A_1 : vector<1x4096xf32> to vector<512x4096xf32>
    %mul3A_5 = arith.mulf %mul3A, %get3A_4 : vector<512x4096xf32>
    %get3A_6 = arith.constant 1 : index
    %get3A_7 = arith.constant 0 : index
    %get3A_8 = vector.load %arg1[%get3A_6, %get3A_7] : memref<2x4096xf32, #tpu.memory_space<vmem>>, vector<1x4096xf32>
    %get3A_9 = arith.constant 0 : index
    %get3A_10 = arith.constant 0 : index
    %get3A_11 = vector.load %arg3[%get3A_9, %get3A_10] : memref<512x4096xf32, #tpu.memory_space<vmem>>, vector<512x4096xf32>
    %mul3A_12 = vector.broadcast %get3A_8 : vector<1x4096xf32> to vector<512x4096xf32>
    %mul3A_13 = arith.mulf %mul3A_12, %get3A_11 : vector<512x4096xf32>
    %add3A = arith.addf %mul3A_5, %mul3A_13 : vector<512x4096xf32>
    %swap3A = arith.constant 0 : index
    %swap3A_14 = arith.constant 0 : index
    %swap3A_15 = vector.load %arg4[%swap3A, %swap3A_14] : memref<512x4096xf32, #tpu.memory_space<vmem>>, vector<512x4096xf32>
    tpu.vector_store %arg4[%swap3A, %swap3A_14], %add3A {strides = array<i32>} : memref<512x4096xf32, #tpu.memory_space<vmem>>, vector<512x4096xf32>,
    return
  }
  func.func @transform_0(%arg0: i32) -> (i32, i32) {
    %c0_i32 = arith.constant 0 : i32
    %c0_i32_0 = arith.constant 0 : i32
    %c0_i32_1 = arith.constant 0 : i32
    return %c0_i32, %c0_i32_0 : i32, i32
  }
  func.func @transform_1(%arg0: i32) -> (i32, i32) {
    %c0_i32 = arith.constant 0 : i32
    %c0_i32_0 = arith.constant 0 : i32
    return %arg0, %c0_i32 : i32, i32
  }
  func.func @transform_2(%arg0: i32) -> (i32, i32) {
    %c0_i32 = arith.constant 0 : i32
    %c0_i32_0 = arith.constant 0 : i32
    return %arg0, %c0_i32 : i32, i32
  }
  func.func @transform_3(%arg0: i32) -> (i32, i32) {
    %c0_i32 = arith.constant 0 : i32
    %c0_i32_0 = arith.constant 0 : i32
    return %arg0, %c0_i32 : i32, i32
  }
}

</mosaic_0001>

<sc_bundles>
// kernel: kernel.4.cloned.1.call-start
scs
__scs_entry_jumppad:
0x0: {  	(pc) =	sbr.rel $0x88, $3  }
0x1: {  	(tag) =	ssettag $0x0;
	lr =	simm.s32 $0x1  }
0x2: {  	[smem:$0x3F9E] =	sst lr;
	_ =	strace $0xD0000000  }
0x3: {  	_ = 	snop  }
0x4: {  	_ = 	snop  }
0x5: {  	_ = 	snop  }
0x6: {  	_ = 	snop  }
0x7: {  	_ = 	snop  }
__scs_overlays_trampoline_lowered:
0x8: {  	[smem:$0x3FAD] =	sst s0  }
0x9: {  	[smem:$0x3FAE] =	sst s1  }
0xa: {  	[smem:$0x3FAF] =	sst s2  }
0xb: {  	[smem:$0x3FB0] =	sst s3  }
0xc: {  	[smem:$0x3FB1] =	sst s4  }
0xd: {  	[smem:$0x3FB2] =	sst s5  }
0xe: {  	[smem:$0x3FB3] =	sst s6  }
0xf: {  	[smem:$0x3FB4] =	sst s7  }
0x10: {  	[smem:$0x3FB5] =	sst s8  }
0x11: {  	[smem:$0x3FB6] =	sst s9;
	s0 =	simm.s32 @!p0 $0x0  }
0x12: {  	s1 =	sld [smem:$0x3F9C];
	s0 =	simm.s32 @p0 $0x1  }
0x13: {  	[smem:$0x3FB7] =	sst s0;
	s0 =	simm.s32 @!p1 $0x0  }
0x14: {  	s2 =	sld [smem:$0x3F9B];
	s0 =	simm.s32 @p1 $0x1  }
0x15: {  	[smem:$0x3FB8] =	sst s0;
	s0 =	simm.s32 @!p2 $0x0  }
0x16: {  	s3 =	sld [smem:$0x3FDB];
	s0 =	simm.s32 @p2 $0x1  }
0x17: {  	s4 =	simm.s32 $0x1BF5;
	[smem:$0x3FBA] =	sst s0  }
0x18: {  	s0 =	sld [smem:$0x3F9D];
	_ =	swait.ge [sflag:s4], $0x0  }
0x19: {  	s7 =	sld [smem:$0x3F9E]  }
0x1a: {  	s8 =	sadd.s32 $0xFFFFE003, lr  }
0x1b: {  	s9 =	sadd.s32 $0xFFFFFEF7, lr;
	s5 =	simm.s32 $0xFFFFFFFF;
	p2 =	slt.u32 s8, $0xFFFFF086  }
0x1c: {  	p1 =	slt.u32 s9, $0xF7A;
	s5 =	simm.s32 @!p2 $0x0  }
0x1d: {  	s5 =	simm.s32 @p1 $0x1;
	p0 =	seq.s32 s7, s2  }
0x1e: {  	s7 =	smul.u32 @!p0 $0xF7A, s2;
	p2 =	seq.s32 @!p0 s5, $0x0  }
0x1f: {  	s9 =	smul.u32 $0xF7A, s1;
	s8 =	simm.s32 @!p0 $0x1BF5;
	p2 =	por !p2, p0  }
0x20: {  	[sflag:s8] =	ssyncset.s32 @!p0 $0xFFFFF086;
	s6 =	sadd.s32 @!p0 s3, s7;
	s7 =	simm.s32 @!p0 $0x108  }
0x21: {  	s3 =	sadd.s32 s3, s9;
	s6 =	sadd.s32 @!p0 $0x88, s6;
	s7 =	simm.s32 @p2 $0x1082  }
0x22: {  	[simem:s7], [sflag:s8] =	dma.local @!p0 [hbm:s6], $0xF7A  }
0x23: {  	s9 =	sor.u32 $0xD0000000, s2;
	s6 =	simm.s32 $0x108;
	_ =	swait.ge @!p0 [sflag:s8], $0x0  }
0x24: {  	s3 =	sadd.s32 $0x88, s3;
	s6 =	simm.s32 @!p1 $0x1082;
	[sflag:s4] =	ssyncset.s32 $0xFFFFF086  }
0x25: {  	[simem:s6], [sflag:s4] =	dma.local [hbm:s3], $0xF7A  }
0x26: {  	[smem:$0x3F9E] =	sst s1;
	(tag) =	ssettag s2;
	_ =	strace s9  }
0x27: {  	s1 =	sld [smem:$0x3FAE]  }
0x28: {  	s2 =	sld [smem:$0x3FAF]  }
0x29: {  	s4 =	sld [smem:$0x3FB1]  }
0x2a: {  	p0 =	seq.s32 s5, $0x0;
	s5 =	sld [smem:$0x3FB2]  }
0x2b: {  	s6 =	sld [smem:$0x3FB3]  }
0x2c: {  	s7 =	sld [smem:$0x3FB4]  }
0x2d: {  	s3 =	simm.s32 $0x108;
	s8 =	sld [smem:$0x3FB5]  }
0x2e: {  	s3 =	simm.s32 @!p0 $0x1082;
	s9 =	sld [smem:$0x3FB6]  }
0x2f: {  	lr =	sadd.s32 s0, s3;
	s0 =	sld [smem:$0x3FAD]  }
0x30: {  	s3 =	sld [smem:$0x3FB0]  }
0x31: {  	[smem:$0x3FB9] =	sst s10  }
0x32: {  	s10 =	sld [smem:$0x3FB7];
	_ =	sdelay $0x3  }
0x33: {  	p0 =	seq.s32 s10, $0x1;
	s10 =	sld [smem:$0x3FB9];
	_ =	sdelay $0x3  }
0x34: {  	[smem:$0x3FB9] =	sst s10  }
0x35: {  	s10 =	sld [smem:$0x3FB8];
	_ =	sdelay $0x3  }
0x36: {  	p1 =	seq.s32 s10, $0x1;
	s10 =	sld [smem:$0x3FB9];
	_ =	sdelay $0x3  }
0x37: {  	[smem:$0x3FB9] =	sst s10  }
0x38: {  	s10 =	sld [smem:$0x3FBA]  }
0x39: {  	_ = 	snop;
	(pc) =	sbr.ind lr, $3  }
0x3a: {  	_ = 	snop  }
0x3b: {  	_ = 	snop  }
0x3c: {  	p2 =	seq.s32 s10, $0x1;
	s10 =	sld [smem:$0x3FB9]  }
0x3d: {  	_ =	shalt  }
0x3e: {  	_ =	shalt  }
0x3f: {  	_ =	shalt  }
0x40: {  	_ =	shalt  }
0x41: {  	_ =	shalt  }
0x42: {  	_ =	shalt  }
0x43: {  	_ =	shalt  }
0x44: {  	_ =	shalt  }
0x45: {  	_ =	shalt  }
0x46: {  	_ =	shalt  }
0x47: {  	_ =	shalt  }
0x48: {  	_ =	shalt  }
0x49: {  	_ =	shalt  }
0x4a: {  	_ =	shalt  }
0x4b: {  	_ =	shalt  }
0x4c: {  	_ =	shalt  }
0x4d: {  	_ =	shalt  }
0x4e: {  	_ =	shalt  }
0x4f: {  	_ =	shalt  }
0x50: {  	_ =	shalt  }
0x51: {  	_ =	shalt  }
0x52: {  	_ =	shalt  }
0x53: {  	_ =	shalt  }
0x54: {  	_ =	shalt  }
0x55: {  	_ =	shalt  }
0x56: {  	_ =	shalt  }
0x57: {  	_ =	shalt  }
0x58: {  	_ =	shalt  }
0x59: {  	_ =	shalt  }
0x5a: {  	_ =	shalt  }
0x5b: {  	_ =	shalt  }
0x5c: {  	_ =	shalt  }
0x5d: {  	_ =	shalt  }
0x5e: {  	_ =	shalt  }
0x5f: {  	_ =	shalt  }
0x60: {  	_ =	shalt  }
0x61: {  	_ =	shalt  }
0x62: {  	_ =	shalt  }
0x63: {  	_ =	shalt  }
0x64: {  	_ =	shalt  }
0x65: {  	_ =	shalt  }
0x66: {  	_ =	shalt  }
0x67: {  	_ =	shalt  }
0x68: {  	_ =	shalt  }
0x69: {  	_ =	shalt  }
0x6a: {  	_ =	shalt  }
0x6b: {  	_ =	shalt  }
0x6c: {  	_ =	shalt  }
0x6d: {  	_ =	shalt  }
0x6e: {  	_ =	shalt  }
0x6f: {  	_ =	shalt  }
0x70: {  	_ =	shalt  }
0x71: {  	_ =	shalt  }
0x72: {  	_ =	shalt  }
0x73: {  	_ =	shalt  }
0x74: {  	_ =	shalt  }
0x75: {  	_ =	shalt  }
0x76: {  	_ =	shalt  }
0x77: {  	_ =	shalt  }
0x78: {  	_ =	shalt  }
0x79: {  	_ =	shalt  }
0x7a: {  	_ =	shalt  }
0x7b: {  	_ =	shalt  }
0x7c: {  	_ =	shalt  }
0x7d: {  	_ =	shalt  }
0x7e: {  	_ =	shalt  }
0x7f: {  	_ =	shalt  }
0x80: {  	_ =	shalt  }
0x81: {  	_ =	shalt  }
0x82: {  	_ =	shalt  }
0x83: {  	_ =	shalt  }
0x84: {  	_ =	shalt  }
0x85: {  	_ =	shalt  }
0x86: {  	_ =	shalt  }
0x87: {  	_ =	shalt  }
.Lfunc_end0:
.L_simem_size_0:
called_computation_lowered:
.L_overlay_start_0:
0x88: {  	s0 =	sld [smem:$0x3FD9]  }
0x89: {  	s1 =	sld [smem:$0x3FFE];
	_ =	sdelay $0x3  }
0x8a: {  	s0 =	sadd.s32 s1, s0  }
0x8b: {  	[smem:$0x3FC5] =	sst s0  }
0x8c: {  	_ = 	snop  }
0x8d: {  	s0 =	sld [smem:$0x3FC8]  }
0x8e: {  	s16 =	sld [smem:$0x3FD0];
	(tm) =	ssettm $0x1  }
0x8f: {  	s2 =	sld [smem:$0x3FFB];
	_ =	sdelay $0x3  }
0x90: {  	_ =	strace s2  }
0x91: {  	s2 =	sld [smem:$0x3FFC];
	_ =	sdelay $0x3  }
0x92: {  	_ =	strace s2  }
0x93: {  	s2 =	sld [smem:$0x3FFD];
	_ =	sdelay $0x3  }
0x94: {  	_ =	strace s2  }
0x95: {  	_ =	strace $0x8FFFFFFF  }
0x96: {  	s17 =	sld [smem:$0x3FDB];
	_ =	sdelay $0x1  }
0x97: {  	s3 =	simm.s32 $_scs_section_size  }
0x98: {  	s4 =	simm.s32 $_size__tile_overlayer_lowered;
	s5 =	simm.s32 $_tile_overlayer_lowered  }
0x99: {  	s20 =	simm.s32 $0x1BFF;
	s19 =	sshll.u32 s5, $0x1;
	s2 =	sadd.s32 s3, s17  }
0x9a: {  	s6 =	simm.s32 $0x0;
	s18 =	sshll.u32 s4, $0x1;
	s4 =	sadd.s32 s19, s2  }
0x9b: {  	[timem:s6], [sflag:s20] =	dma.local [hbm:s4], s18  }
0x9c: {  	_ =	swait.ge [sflag:s20], s18  }
0x9d: {  	s3 =	ssub.s32 $0x0, s18;
	[sflag:s20] =	ssyncset.done $0x0  }
0x9e: {  	[sflag:s20] =	ssyncadd.s32 s3;
	_ =	sdelay $0x1  }
0x9f: {  	s21 =	simm.s32 $0x1B8B  }
0xa0: {  	_ =	swait.ge [sflag:s21], $0x1  }
0xa1: {  	[sflag:s21] =	ssyncset.done $0x0  }
0xa2: {  	s23 =	simm.s32 $0x1B8E;
	s22 =	sld [smem:$0x3FFE];
	[sflag:s21] =	ssyncadd.s32 $0xFFFFFFFF  }
0xa3: {  	s24 =	simm.s32 $execute0_lowered;
	[smem:$0x3FD2] =	sst s23  }
0xa4: {  	s4 =	sshll.u32 s24, $0x1;
	_ =	strace $0x80000046;
	[dreg:$0x1] =	wrdreg $0xFFFFFFFF  }
0xa5: {  	s25 =	simm.s32 $_size_execute0_lowered;
	s2 =	sadd.s32 s2, s4;
	[dreg:$0x0] =	wrdreg $0x0  }
0xa6: {  	s4 =	sshll.u32 s25, $0x1;
	[dreg:$0x2] =	wrdreg s2  }
0xa7: {  	[dreg:$0x3] =	wrdreg s4  }
0xa8: {  	[dreg:$0x4] =	wrdreg $0xC0  }
0xa9: {  	_ =	task [dreg:s6], $0x5FFFF  }
0xaa: {  	[dreg:$0x1] =	wrdreg $0xFFFFFFFF  }
0xab: {  	[dreg:$0x0] =	wrdreg $0x60  }
0xac: {  	[dreg:$0x2] =	wrdreg s16  }
0xad: {  	[dreg:$0x3] =	wrdreg s22  }
0xae: {  	[dreg:$0x4] =	wrdreg s0  }
0xaf: {  	[dreg:$0x5] =	wrdreg $0x9  }
0xb0: {  	_ =	task.clear_ibuf [dreg:s6], $0x6FFFF;
	_ =	strace $0x90000046  }
0xb1: {  	s26 =	simm.s32 $0x9;
	_ =	strace $0x80000048  }
0xb2: {  	_ =	swait.ge [sflag:s26], $0x1  }
0xb3: {  	[sflag:s26] =	ssyncadd.s32 $0xFFFFFFFF  }
0xb4: {  	_ =	strace $0x90000048  }
0xb5: {  	_ =	sfence  }
0xb6: {  	s28 =	sld [smem:$0x0];
	_ =	sdelay $0x1  }
0xb7: {  	s29 =	srdreg.scid  }
0xb8: {  	s30 =	sshll.u32 s29, $0xD;
	s31 =	sshrl.u32 s29, $0x2  }
0xb9: {  	s1 =	sand.u32 $0x1, s29;
	s2 =	sand.u32 $0x4000, s30;
	s0 =	sadd.s32 s31, s28  }
0xba: {  	s1 =	sor.u32 s2, s1;
	s0 =	sshll.u32 s0, $0x11  }
0xbb: {  	s0 =	sor.u32 s0, s1  }
0xbc: {  	s0 =	sadd.s32 $0x8F2B, s0  }
0xbd: {  	[sflag:s0] =	ssyncadd.remote.s32 $0x1  }
0xbe: {  	_ =	sfence.sel $0xFFFF  }
0xbf: {  	[dreg:$0x0] =	wrdreg $0xFFFFFFFF;
	(pc) =	sbr.abs _section_cstart, $3  }
0xc0: {  	[dreg:$0x1] =	wrdreg $0xFFFFFFFF  }
0xc1: {  	_ =	task.clear_ibuf [dreg:s6], $0x2FFFF;
	_ =	strace $0x9FFFFFFF  }
0xc2: {  	(tm) =	ssettm $0x7FFFFFFF  }
0xc3: {  	_ =	shalt  }
tec
execute0_lowered:
.L_overlay_start_1:
0x0: {  	(tag) =	ssettag $0x1  }
0x1: {  	s2 =	rddreg [dreg:$0x0]  }
0x2: {  	s3 =	rddreg [dreg:$0x1]  }
0x3: {  	s6 =	rddreg [dreg:$0x2];
	s4 =	simm.s32 $0x0  }
0x4: {  	[smem:$0x7FF] =	sst s4  }
0x5: {  	s0 =	rddreg [dreg:$0x3];
	s1 =	stileid.u32;
	_ =	strace $0x80000047  }
0x6: {  	[tilespmem:s4], [sflag:$0x1] =	stream.linear.gather [hbm4b:s2+s4], $0x400, $0x38;
	[tilespmem:$0xB00] =	vst v63  }
0x7: {  	s5 =	simm.s32 $0x400;
	s24 =	sshll.u32 s1, $0x5  }
0x8: {  	[tilespmem:s5], [sflag:$0x1] =	stream.linear.gather [hbm4b:s3+s4], $0x400, $0x38;
	[tilespmem:$0xB00] =	vst v63  }
0x9: {  	s25 =	simm.s32 $0x800;
	s26 =	simm.s32 $0x1;
	s2 =	sadd.s32 s6, s24  }
0xa: {  	[tilespmem:s25], [sflag:$0x1] =	stream.linear.gather [hbm4b:s2+s4], $0x100, $0x38;
	[tilespmem:$0xB00] =	vst v63  }
0xb: {  	_ =	swait.ge [sflag:s26], $0x400  }
0xc: {  	[sflag:s26] =	ssyncset.done $0x0  }
0xd: {  	[sflag:s26] =	ssyncadd.s32 $0xFFFFFC00  }
0xe: {  	_ =	swait.ge [sflag:s26], $0x400  }
0xf: {  	[sflag:s26] =	ssyncset.done $0x0  }
0x10: {  	[sflag:s26] =	ssyncadd.s32 $0xFFFFFC00  }
0x11: {  	_ =	swait.ge [sflag:s26], $0x100  }
0x12: {  	[sflag:s26] =	ssyncset.done $0x0  }
0x13: {  	[sflag:s26] =	ssyncadd.s32 $0xFFFFFF00  }
0x14: {  	v0 =	vld [tilespmem:$0x800];
	_ =	sdelay $0x7  }
0x15: {  	v1 =	vld.idx.msk [tilespmem:v0+s4+$0x0], $0xffff;
	_ =	sdelay $0x3  }
0x16: {  	v2 =	vld [tilespmem:$0x810]  }
0x17: {  	[tilespmem:$0x900] =	vst v1  }
0x18: {  	v0 =	vld.idx.msk [tilespmem:v0+s5+$0x0], $0xffff;
	_ =	sdelay $0x4  }
0x19: {  	[tilespmem:$0xA00] =	vst v0  }
0x1a: {  	v0 =	vld.idx.msk [tilespmem:v2+s4+$0x0], $0xffff;
	_ =	sdelay $0x3  }
0x1b: {  	v50 =	vld [tilespmem:$0x820]  }
0x1c: {  	[tilespmem:$0x910] =	vst v0  }
0x1d: {  	v0 =	vld.idx.msk [tilespmem:v2+s5+$0x0], $0xffff;
	_ =	sdelay $0x4  }
0x1e: {  	[tilespmem:$0xA10] =	vst v0  }
0x1f: {  	v0 =	vld.idx.msk [tilespmem:v50+s4+$0x0], $0xffff;
	_ =	sdelay $0x3  }
0x20: {  	v51 =	vld [tilespmem:$0x830]  }
0x21: {  	[tilespmem:$0x920] =	vst v0  }
0x22: {  	v0 =	vld.idx.msk [tilespmem:v50+s5+$0x0], $0xffff;
	_ =	sdelay $0x4  }
0x23: {  	[tilespmem:$0xA20] =	vst v0  }
0x24: {  	v0 =	vld.idx.msk [tilespmem:v51+s4+$0x0], $0xffff;
	_ =	sdelay $0x3  }
0x25: {  	v52 =	vld [tilespmem:$0x840]  }
0x26: {  	[tilespmem:$0x930] =	vst v0  }
0x27: {  	v0 =	vld.idx.msk [tilespmem:v51+s5+$0x0], $0xffff;
	_ =	sdelay $0x4  }
0x28: {  	[tilespmem:$0xA30] =	vst v0  }
0x29: {  	v0 =	vld.idx.msk [tilespmem:v52+s4+$0x0], $0xffff;
	_ =	sdelay $0x3  }
0x2a: {  	v53 =	vld [tilespmem:$0x850]  }
0x2b: {  	[tilespmem:$0x940] =	vst v0  }
0x2c: {  	v0 =	vld.idx.msk [tilespmem:v52+s5+$0x0], $0xffff;
	_ =	sdelay $0x4  }
0x2d: {  	[tilespmem:$0xA40] =	vst v0  }
0x2e: {  	v0 =	vld.idx.msk [tilespmem:v53+s4+$0x0], $0xffff;
	_ =	sdelay $0x3  }
0x2f: {  	v54 =	vld [tilespmem:$0x860]  }
0x30: {  	[tilespmem:$0x950] =	vst v0  }
0x31: {  	v0 =	vld.idx.msk [tilespmem:v53+s5+$0x0], $0xffff;
	_ =	sdelay $0x4  }
0x32: {  	[tilespmem:$0xA50] =	vst v0  }
0x33: {  	v0 =	vld.idx.msk [tilespmem:v54+s4+$0x0], $0xffff;
	_ =	sdelay $0x3  }
0x34: {  	v55 =	vld [tilespmem:$0x870]  }
0x35: {  	[tilespmem:$0x960] =	vst v0  }
0x36: {  	v0 =	vld.idx.msk [tilespmem:v54+s5+$0x0], $0xffff;
	_ =	sdelay $0x4  }
0x37: {  	[tilespmem:$0xA60] =	vst v0  }
0x38: {  	v0 =	vld.idx.msk [tilespmem:v55+s4+$0x0], $0xffff;
	_ =	sdelay $0x3  }
0x39: {  	v56 =	vld [tilespmem:$0x880]  }
0x3a: {  	[tilespmem:$0x970] =	vst v0  }
0x3b: {  	v0 =	vld.idx.msk [tilespmem:v55+s5+$0x0], $0xffff;
	_ =	sdelay $0x4  }
0x3c: {  	[tilespmem:$0xA70] =	vst v0  }
0x3d: {  	v0 =	vld.idx.msk [tilespmem:v56+s4+$0x0], $0xffff;
	_ =	sdelay $0x3  }
0x3e: {  	v57 =	vld [tilespmem:$0x890]  }
0x3f: {  	[tilespmem:$0x980] =	vst v0  }
0x40: {  	v0 =	vld.idx.msk [tilespmem:v56+s5+$0x0], $0xffff;
	_ =	sdelay $0x4  }
0x41: {  	[tilespmem:$0xA80] =	vst v0  }
0x42: {  	v0 =	vld.idx.msk [tilespmem:v57+s4+$0x0], $0xffff;
	_ =	sdelay $0x3  }
0x43: {  	v58 =	vld [tilespmem:$0x8A0]  }
0x44: {  	[tilespmem:$0x990] =	vst v0  }
0x45: {  	v0 =	vld.idx.msk [tilespmem:v57+s5+$0x0], $0xffff;
	_ =	sdelay $0x4  }
0x46: {  	[tilespmem:$0xA90] =	vst v0  }
0x47: {  	v0 =	vld.idx.msk [tilespmem:v58+s4+$0x0], $0xffff;
	_ =	sdelay $0x3  }
0x48: {  	v59 =	vld [tilespmem:$0x8B0]  }
0x49: {  	[tilespmem:$0x9A0] =	vst v0  }
0x4a: {  	v0 =	vld.idx.msk [tilespmem:v58+s5+$0x0], $0xffff;
	_ =	sdelay $0x4  }
0x4b: {  	[tilespmem:$0xAA0] =	vst v0  }
0x4c: {  	v0 =	vld.idx.msk [tilespmem:v59+s4+$0x0], $0xffff;
	_ =	sdelay $0x3  }
0x4d: {  	v60 =	vld [tilespmem:$0x8C0]  }
0x4e: {  	[tilespmem:$0x9B0] =	vst v0  }
0x4f: {  	v0 =	vld.idx.msk [tilespmem:v59+s5+$0x0], $0xffff;
	_ =	sdelay $0x4  }
0x50: {  	[tilespmem:$0xAB0] =	vst v0  }
0x51: {  	v0 =	vld.idx.msk [tilespmem:v60+s4+$0x0], $0xffff;
	_ =	sdelay $0x3  }
0x52: {  	v61 =	vld [tilespmem:$0x8D0]  }
0x53: {  	[tilespmem:$0x9C0] =	vst v0  }
0x54: {  	v0 =	vld.idx.msk [tilespmem:v60+s5+$0x0], $0xffff;
	_ =	sdelay $0x4  }
0x55: {  	[tilespmem:$0xAC0] =	vst v0  }
0x56: {  	v0 =	vld.idx.msk [tilespmem:v61+s4+$0x0], $0xffff;
	_ =	sdelay $0x3  }
0x57: {  	v62 =	vld [tilespmem:$0x8E0]  }
0x58: {  	[tilespmem:$0x9D0] =	vst v0  }
0x59: {  	v0 =	vld.idx.msk [tilespmem:v61+s5+$0x0], $0xffff;
	_ =	sdelay $0x4  }
0x5a: {  	[tilespmem:$0xAD0] =	vst v0  }
0x5b: {  	v0 =	vld.idx.msk [tilespmem:v62+s4+$0x0], $0xffff;
	_ =	sdelay $0x3  }
0x5c: {  	v63 =	vld [tilespmem:$0x8F0]  }
0x5d: {  	[tilespmem:$0x9E0] =	vst v0  }
0x5e: {  	v0 =	vld.idx.msk [tilespmem:v62+s5+$0x0], $0xffff;
	_ =	sdelay $0x4  }
0x5f: {  	[tilespmem:$0xAE0] =	vst v0  }
0x60: {  	v0 =	vld.idx.msk [tilespmem:v63+s4+$0x0], $0xffff;
	_ =	sdelay $0x4  }
0x61: {  	[tilespmem:$0x9F0] =	vst v0  }
0x62: {  	v0 =	vld.idx.msk [tilespmem:v63+s5+$0x0], $0xffff;
	_ =	sdelay $0x2  }
0x63: {  	s28 =	sshll.u32 s1, $0x6  }
0x64: {  	s29 =	simm.s32 $0x80;
	s3 =	sadd.s32 s28, s3  }
0x65: {  	s30 =	simm.s32 $0x100;
	s7 =	simm.s32 $0x900;
	s4 =	sadd.s32 $0x200, s3;
	[tilespmem:$0xAF0] =	vst v0  }
0x66: {  	[hbm4b:s4+s29] =	stream.strided.scatter [tilespmem:s7], [sflag:$0x1], $0x100, s30, s29, $0x38;
	[tilespmem:$0xB00] =	vst v63  }
0x67: {  	s31 =	simm.s32 $0xA00;
	s3 =	sadd.s32 $0x210, s3  }
0x68: {  	[hbm4b:s3+s29] =	stream.strided.scatter [tilespmem:s31], [sflag:$0x1], $0x100, s30, s29, $0x38;
	[tilespmem:$0xB00] =	vst v63  }
0x69: {  	_ =	swait.ge [sflag:s26], $0x100  }
0x6a: {  	[sflag:s26] =	ssyncset.done $0x0  }
0x6b: {  	[sflag:s26] =	ssyncadd.s32 $0xFFFFFF00  }
0x6c: {  	_ =	swait.ge [sflag:s26], $0x100  }
0x6d: {  	[sflag:s26] =	ssyncset.done $0x0  }
0x6e: {  	[sflag:s26] =	ssyncadd.s32 $0xFFFFFF00  }
0x6f: {  	_ =	sfence.sel $0x180000  }
0x70: {  	[bflag:$0x0] =	sbarrier.arrive $0xFFFF  }
0x71: {  	p0 =	sne.s32 s1, $0x0;
	_ =	strace $0x90000047  }
0x72: {  	s0 =	sadd.s32 @!p0 $0x100000, s0;
	[bflag:$0x2] =	sbarrier.arrive $0xFFFF  }
0x73: {  	[sflag:s0] =	ssyncadd.tile.s32 @!p0 $0x1;
	_ =	shalt  }
.Lfunc_end2:
_tile_overlayer_lowered:
.L_overlay_start_2:
0x74: {  	(tag) =	ssettag $0x2  }
0x75: {  	s0 =	rddreg [dreg:$0x0];
	s2 =	stileid.u32  }
0x76: {  	s1 =	rddreg [dreg:$0x1];
	p0 =	sne.s32 s2, $0x0  }
0x77: {  	s3 =	rddreg [dreg:$0x2];
	[bflag:$0x3] =	sbarrier.arrive $0xFFFF;
	s2 =	simm.s32 @!p0 $0x1C02  }
0x78: {  	[timem:s3], [sflag:s2] =	dma.local @!p0 [hbm:s0], s1  }
0x79: {  	s0 =	simm.s32 @!p0 $0x2  }
0x7a: {  	_ =	swait.ge @!p0 [sflag:s0], s1  }
0x7b: {  	s1 =	ssub.s32 @!p0 $0x0, s1;
	[sflag:s0] =	ssyncset.done @!p0 $0x0  }
0x7c: {  	[sflag:s0] =	ssyncadd.s32 @!p0 s1  }
0x7d: {  	[bflag:$0x3] =	sbarrier.arrive $0xFFFF  }
0x7e: {  	_ =	shalt  }

</sc_bundles>
